<compile_context>
chip_gen: v7x
topology: tpu7x:2x2x1
jax: 0.10.2.dev20260603
libtpu: 0.0.44.dev20260713+nightly
codegen_flags: <defaults>
</compile_context>

<pallas_src>
import functools

import jax
import jax.numpy as jnp
from jax import lax
from jax.experimental import pallas as pl
from jax.experimental.pallas import tpu as pltpu
from jax.experimental.pallas import tpu_sc as plsc

_NUM_CORES = 2
_NUM_SUBCORES = 16
_NUM_WORKERS = _NUM_CORES * _NUM_SUBCORES
_CHUNK = 128
_GPB = 2
_SUPER = _CHUNK * _GPB
_NBUF = 3


def _sc_gather(idx_hbm, table_hbm, out_hbm, idx_v, rows0, rows1, rows2,
               gsem0, gsem1, gsem2, osem0, osem1, osem2):
    wid = lax.axis_index("s") * _NUM_CORES + lax.axis_index("c")
    n_chunks = idx_v.shape[0] // _SUPER
    base = wid * idx_v.shape[0]
    pltpu.sync_copy(idx_hbm.at[pl.ds(base, idx_v.shape[0])], idx_v)

    bufs = ((rows0, gsem0, osem0), (rows1, gsem1, osem1),
            (rows2, gsem2, osem2))

    def fire_gather(j, rows, gsem):
        for i in range(_GPB):
            pltpu.async_copy(
                table_hbm.at[idx_v.at[pl.ds(j * _SUPER + i * _CHUNK,
                                            _CHUNK)]],
                rows.at[pl.ds(i * _CHUNK, _CHUNK)], gsem)

    def wait_gather(rows, gsem):
        for i in range(_GPB):
            pltpu.make_async_copy(table_hbm.at[idx_v.at[pl.ds(0, _CHUNK)]],
                                  rows.at[pl.ds(i * _CHUNK, _CHUNK)],
                                  gsem).wait()

    def fire_out(j, rows, osem):
        pltpu.async_copy(rows, out_hbm.at[pl.ds(base + j * _SUPER, _SUPER)],
                         osem)

    def wait_out(rows, osem):
        pltpu.make_async_copy(rows, out_hbm.at[pl.ds(0, _SUPER)],
                              osem).wait()

    for b in range(_NBUF):
        fire_gather(b, bufs[b][0], bufs[b][1])

    def body(k, carry):
        j0 = _NBUF * k
        for b in range(_NBUF):
            rows, gsem, osem = bufs[b]
            j = j0 + b

            @pl.when(j < n_chunks)
            def _():
                wait_gather(rows, gsem)
                fire_out(j, rows, osem)

                @pl.when(j + _NBUF < n_chunks)
                def _():
                    wait_out(rows, osem)
                    fire_gather(j + _NBUF, rows, gsem)

        return carry

    lax.fori_loop(0, -(-n_chunks // _NBUF), body, 0)

    for b in range(_NBUF):
        wait_out(bufs[b][0], bufs[b][2])


def kernel(input, action_embedding):
    batch, hist = input.shape
    dim = action_embedding.shape[1]
    n_rows = batch * hist

    idx_flat = jnp.transpose(input).astype(jnp.int32).reshape(-1)
    slab = _NUM_WORKERS * _SUPER
    pad = (-n_rows) % slab
    if pad:
        idx_flat = jnp.pad(idx_flat, (0, pad))
    rows_per_worker = idx_flat.size // _NUM_WORKERS

    mesh = plsc.VectorSubcoreMesh(core_axis_name="c", subcore_axis_name="s")
    run = functools.partial(
        pl.kernel,
        mesh=mesh,
        out_type=jax.ShapeDtypeStruct((idx_flat.size, dim), jnp.float32),
        scratch_types=[
            pltpu.VMEM((rows_per_worker,), jnp.int32),
            pltpu.VMEM((_SUPER, dim), jnp.float32),
            pltpu.VMEM((_SUPER, dim), jnp.float32),
            pltpu.VMEM((_SUPER, dim), jnp.float32),
            pltpu.SemaphoreType.DMA,
            pltpu.SemaphoreType.DMA,
            pltpu.SemaphoreType.DMA,
            pltpu.SemaphoreType.DMA,
            pltpu.SemaphoreType.DMA,
            pltpu.SemaphoreType.DMA,
        ],
    )(_sc_gather)

    out = run(idx_flat, action_embedding)
    out = out[:n_rows].reshape(hist, batch, dim)
    return jnp.transpose(out, (1, 0, 2))

# --- scband reference (transcript-rebuilt; emitter-appended) ---
"""Pipeline reference for scband-embed-action-69200513073307 (READ-ONLY COPY).

The authoritative reference and input builder live on the scoring server;
editing this copy changes nothing except your own understanding.
"""

import jax, jax.numpy as jnp
import numpy as np

NUM_ACTIONS = 100000
LATENT_DIM = 128
BATCH = 4096
HIST = 50

def setup_inputs(seed: int = 0) -> dict:
    key = jax.random.key(seed)
    k_idx, k_emb = jax.random.split(key)
    input = jax.random.randint(k_idx, (BATCH, HIST), 0, NUM_ACTIONS, dtype=jnp.int64 if jax.config.jax_enable_x64 else jnp.int32).astype(jnp.int32)
    action_embedding = jax.random.normal(k_emb, (NUM_ACTIONS, LATENT_DIM), dtype=jnp.float32)
    return {"input": input, "action_embedding": action_embedding}

def reference(input, action_embedding):
    idx = input.astype(jnp.int32)
    output = jnp.take(action_embedding, idx, axis=0)
    return output

if __name__ == "__main__":
    import jax
    _d = setup_inputs()
    print(jax.jit(kernel)(*tuple(_d.values())))

</pallas_src>

<mosaic_0001>
#map = affine_map<(d0, d1) -> (0)>
#map1 = affine_map<(d0, d1) -> (0, 0)>
module attributes {stable_mosaic.version = 14 : i64} {
  func.func @_sc_gather(%arg0: i32, %arg1: i32, %arg2: memref<204800xi32, #tpu.memory_space<hbm>>, %arg3: memref<100000x128xf32, #tpu.memory_space<hbm>>, %arg4: memref<204800x128xf32, #tpu.memory_space<hbm>>, %arg5: memref<6400xi32, #tpu.memory_space<vmem>>, %arg6: memref<256x128xf32, #tpu.memory_space<vmem>>, %arg7: memref<256x128xf32, #tpu.memory_space<vmem>>, %arg8: memref<256x128xf32, #tpu.memory_space<vmem>>, %arg9: memref<!tpu.dma_semaphore, #tpu.memory_space<semaphore_mem>>, %arg10: memref<!tpu.dma_semaphore, #tpu.memory_space<semaphore_mem>>, %arg11: memref<!tpu.dma_semaphore, #tpu.memory_space<semaphore_mem>>, %arg12: memref<!tpu.dma_semaphore, #tpu.memory_space<semaphore_mem>>, %arg13: memref<!tpu.dma_semaphore, #tpu.memory_space<semaphore_mem>>, %arg14: memref<!tpu.dma_semaphore, #tpu.memory_space<semaphore_mem>>) attributes {dimension_semantics = [#tpu.dimension_semantics<core_parallel>, #tpu.dimension_semantics<subcore_parallel>], iteration_bounds = array<i64: 2, 16>, scalar_prefetch = 0 : i64, scratch_operands = 10 : i64, tpu.core_type = #tpu.core_type<sc_vector_subcore>, window_params = [{transform_indices = #map}, {transform_indices = #map1}, {transform_indices = #map1}]} {
    %mul3A = arith.constant 2 : i32
    %mul3A_0 = arith.muli %arg1, %mul3A : i32
    %add3A = arith.addi %mul3A_0, %arg0 : i32
    %mul3A_1 = arith.constant 6400 : i32
    %mul3A_2 = arith.muli %add3A, %mul3A_1 : i32
    "tpu.region"() ({
      %run_scoped3A = tpu.sem_alloc : memref<!tpu.dma_semaphore, #tpu.memory_space<semaphore_mem>>
      %dma_start3A_72 = tpu.memref_slice %arg2[%mul3A_2] : memref<204800xi32, #tpu.memory_space<hbm>> -> memref<6400xi32, #tpu.memory_space<hbm>>
      %dma_start3A_73 = tpu.memref_slice %arg2[%mul3A_2] : memref<204800xi32, #tpu.memory_space<hbm>> -> memref<6400xi32, #tpu.memory_space<hbm>>
      tpu.enqueue_dma source(%dma_start3A_73 : memref<6400xi32, #tpu.memory_space<hbm>>) target(%arg5 : memref<6400xi32, #tpu.memory_space<vmem>>) target_semaphore(%run_scoped3A : memref<!tpu.dma_semaphore, #tpu.memory_space<semaphore_mem>>)
      %dma_wait3A_74 = tpu.memref_slice %arg2[%mul3A_2] : memref<204800xi32, #tpu.memory_space<hbm>> -> memref<6400xi32, #tpu.memory_space<hbm>>
      %dma_wait3A_75 = tpu.memref_slice %arg2[%mul3A_2] : memref<204800xi32, #tpu.memory_space<hbm>> -> memref<6400xi32, #tpu.memory_space<hbm>>
      tpu.wait_dma2 semaphore(%run_scoped3A : memref<!tpu.dma_semaphore, #tpu.memory_space<semaphore_mem>>) src(%dma_wait3A_75 : memref<6400xi32, #tpu.memory_space<hbm>>) dst(%arg5 : memref<6400xi32, #tpu.memory_space<vmem>>)
      tpu.yield
    }) : () -> ()
    %dma_start3A = arith.constant 0 : i32
    %dma_start3A_3 = arith.constant 0 : i32
    %dma_start3A_4 = tpu.memref_slice %arg6[%dma_start3A, %dma_start3A_3] : memref<256x128xf32, #tpu.memory_space<vmem>> -> memref<128x128xf32, #tpu.memory_space<vmem>>
    %dma_start3A_5 = arith.constant 0 : i32
    %dma_start3A_6 = tpu.memref_slice %arg5[%dma_start3A_5] : memref<6400xi32, #tpu.memory_space<vmem>> -> memref<128xi32, #tpu.memory_space<vmem>>
    %dma_start3A_7 = arith.constant 0 : i32
    %dma_start3A_8 = arith.constant 0 : i32
    %dma_start3A_9 = tpu.memref_slice %arg3[%dma_start3A_7, %dma_start3A_8] : memref<100000x128xf32, #tpu.memory_space<hbm>> -> memref<100000x128xf32, #tpu.memory_space<hbm>>
    tpu.enqueue_indirect_dma source(%dma_start3A_9 : memref<100000x128xf32, #tpu.memory_space<hbm>>) target(%dma_start3A_4 : memref<128x128xf32, #tpu.memory_space<vmem>>) offsets(%dma_start3A_6 : memref<128xi32, #tpu.memory_space<vmem>>) semaphore(%arg9 : memref<!tpu.dma_semaphore, #tpu.memory_space<semaphore_mem>>)
    %dma_start3A_10 = arith.constant 128 : i32
    %dma_start3A_11 = arith.constant 0 : i32
    %dma_start3A_12 = tpu.memref_slice %arg6[%dma_start3A_10, %dma_start3A_11] : memref<256x128xf32, #tpu.memory_space<vmem>> -> memref<128x128xf32, #tpu.memory_space<vmem>>
    %dma_start3A_13 = arith.constant 128 : i32
    %dma_start3A_14 = tpu.memref_slice %arg5[%dma_start3A_13] : memref<6400xi32, #tpu.memory_space<vmem>> -> memref<128xi32, #tpu.memory_space<vmem>>
    %dma_start3A_15 = arith.constant 0 : i32
    %dma_start3A_16 = arith.constant 0 : i32
    %dma_start3A_17 = tpu.memref_slice %arg3[%dma_start3A_15, %dma_start3A_16] : memref<100000x128xf32, #tpu.memory_space<hbm>> -> memref<100000x128xf32, #tpu.memory_space<hbm>>
    tpu.enqueue_indirect_dma source(%dma_start3A_17 : memref<100000x128xf32, #tpu.memory_space<hbm>>) target(%dma_start3A_12 : memref<128x128xf32, #tpu.memory_space<vmem>>) offsets(%dma_start3A_14 : memref<128xi32, #tpu.memory_space<vmem>>) semaphore(%arg9 : memref<!tpu.dma_semaphore, #tpu.memory_space<semaphore_mem>>)
    %dma_start3A_18 = arith.constant 0 : i32
    %dma_start3A_19 = arith.constant 0 : i32
    %dma_start3A_20 = tpu.memref_slice %arg7[%dma_start3A_18, %dma_start3A_19] : memref<256x128xf32, #tpu.memory_space<vmem>> -> memref<128x128xf32, #tpu.memory_space<vmem>>
    %dma_start3A_21 = arith.constant 256 : i32
    %dma_start3A_22 = tpu.memref_slice %arg5[%dma_start3A_21] : memref<6400xi32, #tpu.memory_space<vmem>> -> memref<128xi32, #tpu.memory_space<vmem>>
    %dma_start3A_23 = arith.constant 0 : i32
    %dma_start3A_24 = arith.constant 0 : i32
    %dma_start3A_25 = tpu.memref_slice %arg3[%dma_start3A_23, %dma_start3A_24] : memref<100000x128xf32, #tpu.memory_space<hbm>> -> memref<100000x128xf32, #tpu.memory_space<hbm>>
    tpu.enqueue_indirect_dma source(%dma_start3A_25 : memref<100000x128xf32, #tpu.memory_space<hbm>>) target(%dma_start3A_20 : memref<128x128xf32, #tpu.memory_space<vmem>>) offsets(%dma_start3A_22 : memref<128xi32, #tpu.memory_space<vmem>>) semaphore(%arg10 : memref<!tpu.dma_semaphore, #tpu.memory_space<semaphore_mem>>)
    %dma_start3A_26 = arith.constant 128 : i32
    %dma_start3A_27 = arith.constant 0 : i32
    %dma_start3A_28 = tpu.memref_slice %arg7[%dma_start3A_26, %dma_start3A_27] : memref<256x128xf32, #tpu.memory_space<vmem>> -> memref<128x128xf32, #tpu.memory_space<vmem>>
    %dma_start3A_29 = arith.constant 384 : i32
    %dma_start3A_30 = tpu.memref_slice %arg5[%dma_start3A_29] : memref<6400xi32, #tpu.memory_space<vmem>> -> memref<128xi32, #tpu.memory_space<vmem>>
    %dma_start3A_31 = arith.constant 0 : i32
    %dma_start3A_32 = arith.constant 0 : i32
    %dma_start3A_33 = tpu.memref_slice %arg3[%dma_start3A_31, %dma_start3A_32] : memref<100000x128xf32, #tpu.memory_space<hbm>> -> memref<100000x128xf32, #tpu.memory_space<hbm>>
    tpu.enqueue_indirect_dma source(%dma_start3A_33 : memref<100000x128xf32, #tpu.memory_space<hbm>>) target(%dma_start3A_28 : memref<128x128xf32, #tpu.memory_space<vmem>>) offsets(%dma_start3A_30 : memref<128xi32, #tpu.memory_space<vmem>>) semaphore(%arg10 : memref<!tpu.dma_semaphore, #tpu.memory_space<semaphore_mem>>)
    %dma_start3A_34 = arith.constant 0 : i32
    %dma_start3A_35 = arith.constant 0 : i32
    %dma_start3A_36 = tpu.memref_slice %arg8[%dma_start3A_34, %dma_start3A_35] : memref<256x128xf32, #tpu.memory_space<vmem>> -> memref<128x128xf32, #tpu.memory_space<vmem>>
    %dma_start3A_37 = arith.constant 512 : i32
    %dma_start3A_38 = tpu.memref_slice %arg5[%dma_start3A_37] : memref<6400xi32, #tpu.memory_space<vmem>> -> memref<128xi32, #tpu.memory_space<vmem>>
    %dma_start3A_39 = arith.constant 0 : i32
    %dma_start3A_40 = arith.constant 0 : i32
    %dma_start3A_41 = tpu.memref_slice %arg3[%dma_start3A_39, %dma_start3A_40] : memref<100000x128xf32, #tpu.memory_space<hbm>> -> memref<100000x128xf32, #tpu.memory_space<hbm>>
    tpu.enqueue_indirect_dma source(%dma_start3A_41 : memref<100000x128xf32, #tpu.memory_space<hbm>>) target(%dma_start3A_36 : memref<128x128xf32, #tpu.memory_space<vmem>>) offsets(%dma_start3A_38 : memref<128xi32, #tpu.memory_space<vmem>>) semaphore(%arg11 : memref<!tpu.dma_semaphore, #tpu.memory_space<semaphore_mem>>)
    %dma_start3A_42 = arith.constant 128 : i32
    %dma_start3A_43 = arith.constant 0 : i32
    %dma_start3A_44 = tpu.memref_slice %arg8[%dma_start3A_42, %dma_start3A_43] : memref<256x128xf32, #tpu.memory_space<vmem>> -> memref<128x128xf32, #tpu.memory_space<vmem>>
    %dma_start3A_45 = arith.constant 640 : i32
    %dma_start3A_46 = tpu.memref_slice %arg5[%dma_start3A_45] : memref<6400xi32, #tpu.memory_space<vmem>> -> memref<128xi32, #tpu.memory_space<vmem>>
    %dma_start3A_47 = arith.constant 0 : i32
    %dma_start3A_48 = arith.constant 0 : i32
    %dma_start3A_49 = tpu.memref_slice %arg3[%dma_start3A_47, %dma_start3A_48] : memref<100000x128xf32, #tpu.memory_space<hbm>> -> memref<100000x128xf32, #tpu.memory_space<hbm>>
    tpu.enqueue_indirect_dma source(%dma_start3A_49 : memref<100000x128xf32, #tpu.memory_space<hbm>>) target(%dma_start3A_44 : memref<128x128xf32, #tpu.memory_space<vmem>>) offsets(%dma_start3A_46 : memref<128xi32, #tpu.memory_space<vmem>>) semaphore(%arg11 : memref<!tpu.dma_semaphore, #tpu.memory_space<semaphore_mem>>)
    %scan3A = arith.constant 0 : i32
    %scan3A_50 = arith.constant 0 : i32
    %scan3A_51 = arith.constant 9 : i32
    %scan3A_52 = arith.addi %scan3A_50, %scan3A_51 : i32
    %scan3A_53 = arith.constant 1 : i32
    scf.for %scan3A_72 = %scan3A_50 to %scan3A_52 step %scan3A_53  : i32 {
      %mul3A_73 = arith.constant 3 : i32
      %mul3A_74 = arith.muli %mul3A_73, %scan3A_72 : i32
      %add3A_75 = arith.constant 0 : i32
      %add3A_76 = arith.addi %mul3A_74, %add3A_75 : i32
      %lt3A = arith.constant 25 : i32
      %lt3A_77 = arith.cmpi slt, %add3A_76, %lt3A : i32
      %convert_element_type3A = arith.extui %lt3A_77 : i1 to i32
      %cond3A = arith.constant 0 : i32
      %cond3A_78 = arith.cmpi ne, %convert_element_type3A, %cond3A : i32
      scf.if %cond3A_78 {
        %dma_wait3A_93 = arith.constant 0 : i32
        %dma_wait3A_94 = arith.constant 0 : i32
        %dma_wait3A_95 = tpu.memref_slice %arg6[%dma_wait3A_93, %dma_wait3A_94] : memref<256x128xf32, #tpu.memory_space<vmem>> -> memref<128x128xf32, #tpu.memory_space<vmem>>
        %dma_wait3A_96 = arith.constant 0 : i32
        %dma_wait3A_97 = tpu.memref_slice %arg5[%dma_wait3A_96] : memref<6400xi32, #tpu.memory_space<vmem>> -> memref<128xi32, #tpu.memory_space<vmem>>
        %dma_wait3A_98 = arith.constant 0 : i32
        %dma_wait3A_99 = arith.constant 0 : i32
        %dma_wait3A_100 = tpu.memref_slice %arg3[%dma_wait3A_98, %dma_wait3A_99] : memref<100000x128xf32, #tpu.memory_space<hbm>> -> memref<100000x128xf32, #tpu.memory_space<hbm>>
        tpu.wait_indirect_dma semaphore(%arg9 : memref<!tpu.dma_semaphore, #tpu.memory_space<semaphore_mem>>) src(%dma_wait3A_100 : memref<100000x128xf32, #tpu.memory_space<hbm>>) dst(%dma_wait3A_95 : memref<128x128xf32, #tpu.memory_space<vmem>>)
        %dma_wait3A_101 = arith.constant 128 : i32
        %dma_wait3A_102 = arith.constant 0 : i32
        %dma_wait3A_103 = tpu.memref_slice %arg6[%dma_wait3A_101, %dma_wait3A_102] : memref<256x128xf32, #tpu.memory_space<vmem>> -> memref<128x128xf32, #tpu.memory_space<vmem>>
        %dma_wait3A_104 = arith.constant 0 : i32
        %dma_wait3A_105 = tpu.memref_slice %arg5[%dma_wait3A_104] : memref<6400xi32, #tpu.memory_space<vmem>> -> memref<128xi32, #tpu.memory_space<vmem>>
        %dma_wait3A_106 = arith.constant 0 : i32
        %dma_wait3A_107 = arith.constant 0 : i32
        %dma_wait3A_108 = tpu.memref_slice %arg3[%dma_wait3A_106, %dma_wait3A_107] : memref<100000x128xf32, #tpu.memory_space<hbm>> -> memref<100000x128xf32, #tpu.memory_space<hbm>>
        tpu.wait_indirect_dma semaphore(%arg9 : memref<!tpu.dma_semaphore, #tpu.memory_space<semaphore_mem>>) src(%dma_wait3A_108 : memref<100000x128xf32, #tpu.memory_space<hbm>>) dst(%dma_wait3A_103 : memref<128x128xf32, #tpu.memory_space<vmem>>)
        %mul3A_109 = arith.constant 256 : i32
        %mul3A_110 = arith.muli %add3A_76, %mul3A_109 : i32
        %add3A_111 = arith.addi %mul3A_2, %mul3A_110 : i32
        %dma_start3A_112 = arith.constant 0 : i32
        %dma_start3A_113 = tpu.memref_slice %arg4[%add3A_111, %dma_start3A_112] : memref<204800x128xf32, #tpu.memory_space<hbm>> -> memref<256x128xf32, #tpu.memory_space<hbm>>
        %dma_start3A_114 = arith.constant 0 : i32
        %dma_start3A_115 = tpu.memref_slice %arg4[%add3A_111, %dma_start3A_114] : memref<204800x128xf32, #tpu.memory_space<hbm>> -> memref<256x128xf32, #tpu.memory_space<hbm>>
        tpu.enqueue_dma source(%arg6 : memref<256x128xf32, #tpu.memory_space<vmem>>) target(%dma_start3A_115 : memref<256x128xf32, #tpu.memory_space<hbm>>) target_semaphore(%arg12 : memref<!tpu.dma_semaphore, #tpu.memory_space<semaphore_mem>>)
        %add3A_116 = arith.constant 3 : i32
        %add3A_117 = arith.addi %add3A_76, %add3A_116 : i32
        %lt3A_118 = arith.constant 25 : i32
        %lt3A_119 = arith.cmpi slt, %add3A_117, %lt3A_118 : i32
        %convert_element_type3A_120 = arith.extui %lt3A_119 : i1 to i32
        %cond3A_121 = arith.constant 0 : i32
        %cond3A_122 = arith.cmpi ne, %convert_element_type3A_120, %cond3A_121 : i32
        scf.if %cond3A_122 {
          %dma_wait3A_123 = arith.constant 0 : i32
          %dma_wait3A_124 = arith.constant 0 : i32
          %dma_wait3A_125 = tpu.memref_slice %arg4[%dma_wait3A_123, %dma_wait3A_124] : memref<204800x128xf32, #tpu.memory_space<hbm>> -> memref<256x128xf32, #tpu.memory_space<hbm>>
          %dma_wait3A_126 = arith.constant 0 : i32
          %dma_wait3A_127 = arith.constant 0 : i32
          %dma_wait3A_128 = tpu.memref_slice %arg4[%dma_wait3A_126, %dma_wait3A_127] : memref<204800x128xf32, #tpu.memory_space<hbm>> -> memref<256x128xf32, #tpu.memory_space<hbm>>
          tpu.wait_dma2 semaphore(%arg12 : memref<!tpu.dma_semaphore, #tpu.memory_space<semaphore_mem>>) src(%arg6 : memref<256x128xf32, #tpu.memory_space<vmem>>) dst(%dma_wait3A_128 : memref<256x128xf32, #tpu.memory_space<hbm>>)
          %add3A_129 = arith.constant 3 : i32
          %add3A_130 = arith.addi %add3A_76, %add3A_129 : i32
          %mul3A_131 = arith.constant 256 : i32
          %mul3A_132 = arith.muli %add3A_130, %mul3A_131 : i32
          %add3A_133 = arith.constant 0 : i32
          %add3A_134 = arith.addi %mul3A_132, %add3A_133 : i32
          %dma_start3A_135 = arith.constant 0 : i32
          %dma_start3A_136 = arith.constant 0 : i32
          %dma_start3A_137 = tpu.memref_slice %arg6[%dma_start3A_135, %dma_start3A_136] : memref<256x128xf32, #tpu.memory_space<vmem>> -> memref<128x128xf32, #tpu.memory_space<vmem>>
          %dma_start3A_138 = tpu.memref_slice %arg5[%add3A_134] : memref<6400xi32, #tpu.memory_space<vmem>> -> memref<128xi32, #tpu.memory_space<vmem>>
          %dma_start3A_139 = arith.constant 0 : i32
          %dma_start3A_140 = arith.constant 0 : i32
          %dma_start3A_141 = tpu.memref_slice %arg3[%dma_start3A_139, %dma_start3A_140] : memref<100000x128xf32, #tpu.memory_space<hbm>> -> memref<100000x128xf32, #tpu.memory_space<hbm>>
          tpu.enqueue_indirect_dma source(%dma_start3A_141 : memref<100000x128xf32, #tpu.memory_space<hbm>>) target(%dma_start3A_137 : memref<128x128xf32, #tpu.memory_space<vmem>>) offsets(%dma_start3A_138 : memref<128xi32, #tpu.memory_space<vmem>>) semaphore(%arg9 : memref<!tpu.dma_semaphore, #tpu.memory_space<semaphore_mem>>)
          %mul3A_142 = arith.constant 256 : i32
          %mul3A_143 = arith.muli %add3A_130, %mul3A_142 : i32
          %add3A_144 = arith.constant 128 : i32
          %add3A_145 = arith.addi %mul3A_143, %add3A_144 : i32
          %dma_start3A_146 = arith.constant 128 : i32
          %dma_start3A_147 = arith.constant 0 : i32
          %dma_start3A_148 = tpu.memref_slice %arg6[%dma_start3A_146, %dma_start3A_147] : memref<256x128xf32, #tpu.memory_space<vmem>> -> memref<128x128xf32, #tpu.memory_space<vmem>>
          %dma_start3A_149 = tpu.memref_slice %arg5[%add3A_145] : memref<6400xi32, #tpu.memory_space<vmem>> -> memref<128xi32, #tpu.memory_space<vmem>>
          %dma_start3A_150 = arith.constant 0 : i32
          %dma_start3A_151 = arith.constant 0 : i32
          %dma_start3A_152 = tpu.memref_slice %arg3[%dma_start3A_150, %dma_start3A_151] : memref<100000x128xf32, #tpu.memory_space<hbm>> -> memref<100000x128xf32, #tpu.memory_space<hbm>>
          tpu.enqueue_indirect_dma source(%dma_start3A_152 : memref<100000x128xf32, #tpu.memory_space<hbm>>) target(%dma_start3A_148 : memref<128x128xf32, #tpu.memory_space<vmem>>) offsets(%dma_start3A_149 : memref<128xi32, #tpu.memory_space<vmem>>) semaphore(%arg9 : memref<!tpu.dma_semaphore, #tpu.memory_space<semaphore_mem>>)
        } else {
        }
      } else {
      }
      %add3A_79 = arith.constant 1 : i32
      %add3A_80 = arith.addi %mul3A_74, %add3A_79 : i32
      %lt3A_81 = arith.constant 25 : i32
      %lt3A_82 = arith.cmpi slt, %add3A_80, %lt3A_81 : i32
      %convert_element_type3A_83 = arith.extui %lt3A_82 : i1 to i32
      %cond3A_84 = arith.constant 0 : i32
      %cond3A_85 = arith.cmpi ne, %convert_element_type3A_83, %cond3A_84 : i32
      scf.if %cond3A_85 {
        %dma_wait3A_93 = arith.constant 0 : i32
        %dma_wait3A_94 = arith.constant 0 : i32
        %dma_wait3A_95 = tpu.memref_slice %arg7[%dma_wait3A_93, %dma_wait3A_94] : memref<256x128xf32, #tpu.memory_space<vmem>> -> memref<128x128xf32, #tpu.memory_space<vmem>>
        %dma_wait3A_96 = arith.constant 0 : i32
        %dma_wait3A_97 = tpu.memref_slice %arg5[%dma_wait3A_96] : memref<6400xi32, #tpu.memory_space<vmem>> -> memref<128xi32, #tpu.memory_space<vmem>>
        %dma_wait3A_98 = arith.constant 0 : i32
        %dma_wait3A_99 = arith.constant 0 : i32
        %dma_wait3A_100 = tpu.memref_slice %arg3[%dma_wait3A_98, %dma_wait3A_99] : memref<100000x128xf32, #tpu.memory_space<hbm>> -> memref<100000x128xf32, #tpu.memory_space<hbm>>
        tpu.wait_indirect_dma semaphore(%arg10 : memref<!tpu.dma_semaphore, #tpu.memory_space<semaphore_mem>>) src(%dma_wait3A_100 : memref<100000x128xf32, #tpu.memory_space<hbm>>) dst(%dma_wait3A_95 : memref<128x128xf32, #tpu.memory_space<vmem>>)
        %dma_wait3A_101 = arith.constant 128 : i32
        %dma_wait3A_102 = arith.constant 0 : i32
        %dma_wait3A_103 = tpu.memref_slice %arg7[%dma_wait3A_101, %dma_wait3A_102] : memref<256x128xf32, #tpu.memory_space<vmem>> -> memref<128x128xf32, #tpu.memory_space<vmem>>
        %dma_wait3A_104 = arith.constant 0 : i32
        %dma_wait3A_105 = tpu.memref_slice %arg5[%dma_wait3A_104] : memref<6400xi32, #tpu.memory_space<vmem>> -> memref<128xi32, #tpu.memory_space<vmem>>
        %dma_wait3A_106 = arith.constant 0 : i32
        %dma_wait3A_107 = arith.constant 0 : i32
        %dma_wait3A_108 = tpu.memref_slice %arg3[%dma_wait3A_106, %dma_wait3A_107] : memref<100000x128xf32, #tpu.memory_space<hbm>> -> memref<100000x128xf32, #tpu.memory_space<hbm>>
        tpu.wait_indirect_dma semaphore(%arg10 : memref<!tpu.dma_semaphore, #tpu.memory_space<semaphore_mem>>) src(%dma_wait3A_108 : memref<100000x128xf32, #tpu.memory_space<hbm>>) dst(%dma_wait3A_103 : memref<128x128xf32, #tpu.memory_space<vmem>>)
        %mul3A_109 = arith.constant 256 : i32
        %mul3A_110 = arith.muli %add3A_80, %mul3A_109 : i32
        %add3A_111 = arith.addi %mul3A_2, %mul3A_110 : i32
        %dma_start3A_112 = arith.constant 0 : i32
        %dma_start3A_113 = tpu.memref_slice %arg4[%add3A_111, %dma_start3A_112] : memref<204800x128xf32, #tpu.memory_space<hbm>> -> memref<256x128xf32, #tpu.memory_space<hbm>>
        %dma_start3A_114 = arith.constant 0 : i32
        %dma_start3A_115 = tpu.memref_slice %arg4[%add3A_111, %dma_start3A_114] : memref<204800x128xf32, #tpu.memory_space<hbm>> -> memref<256x128xf32, #tpu.memory_space<hbm>>
        tpu.enqueue_dma source(%arg7 : memref<256x128xf32, #tpu.memory_space<vmem>>) target(%dma_start3A_115 : memref<256x128xf32, #tpu.memory_space<hbm>>) target_semaphore(%arg13 : memref<!tpu.dma_semaphore, #tpu.memory_space<semaphore_mem>>)
        %add3A_116 = arith.constant 3 : i32
        %add3A_117 = arith.addi %add3A_80, %add3A_116 : i32
        %lt3A_118 = arith.constant 25 : i32
        %lt3A_119 = arith.cmpi slt, %add3A_117, %lt3A_118 : i32
        %convert_element_type3A_120 = arith.extui %lt3A_119 : i1 to i32
        %cond3A_121 = arith.constant 0 : i32
        %cond3A_122 = arith.cmpi ne, %convert_element_type3A_120, %cond3A_121 : i32
        scf.if %cond3A_122 {
          %dma_wait3A_123 = arith.constant 0 : i32
          %dma_wait3A_124 = arith.constant 0 : i32
          %dma_wait3A_125 = tpu.memref_slice %arg4[%dma_wait3A_123, %dma_wait3A_124] : memref<204800x128xf32, #tpu.memory_space<hbm>> -> memref<256x128xf32, #tpu.memory_space<hbm>>
          %dma_wait3A_126 = arith.constant 0 : i32
          %dma_wait3A_127 = arith.constant 0 : i32
          %dma_wait3A_128 = tpu.memref_slice %arg4[%dma_wait3A_126, %dma_wait3A_127] : memref<204800x128xf32, #tpu.memory_space<hbm>> -> memref<256x128xf32, #tpu.memory_space<hbm>>
          tpu.wait_dma2 semaphore(%arg13 : memref<!tpu.dma_semaphore, #tpu.memory_space<semaphore_mem>>) src(%arg7 : memref<256x128xf32, #tpu.memory_space<vmem>>) dst(%dma_wait3A_128 : memref<256x128xf32, #tpu.memory_space<hbm>>)
          %add3A_129 = arith.constant 3 : i32
          %add3A_130 = arith.addi %add3A_80, %add3A_129 : i32
          %mul3A_131 = arith.constant 256 : i32
          %mul3A_132 = arith.muli %add3A_130, %mul3A_131 : i32
          %add3A_133 = arith.constant 0 : i32
          %add3A_134 = arith.addi %mul3A_132, %add3A_133 : i32
          %dma_start3A_135 = arith.constant 0 : i32
          %dma_start3A_136 = arith.constant 0 : i32
          %dma_start3A_137 = tpu.memref_slice %arg7[%dma_start3A_135, %dma_start3A_136] : memref<256x128xf32, #tpu.memory_space<vmem>> -> memref<128x128xf32, #tpu.memory_space<vmem>>
          %dma_start3A_138 = tpu.memref_slice %arg5[%add3A_134] : memref<6400xi32, #tpu.memory_space<vmem>> -> memref<128xi32, #tpu.memory_space<vmem>>
          %dma_start3A_139 = arith.constant 0 : i32
          %dma_start3A_140 = arith.constant 0 : i32
          %dma_start3A_141 = tpu.memref_slice %arg3[%dma_start3A_139, %dma_start3A_140] : memref<100000x128xf32, #tpu.memory_space<hbm>> -> memref<100000x128xf32, #tpu.memory_space<hbm>>
          tpu.enqueue_indirect_dma source(%dma_start3A_141 : memref<100000x128xf32, #tpu.memory_space<hbm>>) target(%dma_start3A_137 : memref<128x128xf32, #tpu.memory_space<vmem>>) offsets(%dma_start3A_138 : memref<128xi32, #tpu.memory_space<vmem>>) semaphore(%arg10 : memref<!tpu.dma_semaphore, #tpu.memory_space<semaphore_mem>>)
          %mul3A_142 = arith.constant 256 : i32
          %mul3A_143 = arith.muli %add3A_130, %mul3A_142 : i32
          %add3A_144 = arith.constant 128 : i32
          %add3A_145 = arith.addi %mul3A_143, %add3A_144 : i32
          %dma_start3A_146 = arith.constant 128 : i32
          %dma_start3A_147 = arith.constant 0 : i32
          %dma_start3A_148 = tpu.memref_slice %arg7[%dma_start3A_146, %dma_start3A_147] : memref<256x128xf32, #tpu.memory_space<vmem>> -> memref<128x128xf32, #tpu.memory_space<vmem>>
          %dma_start3A_149 = tpu.memref_slice %arg5[%add3A_145] : memref<6400xi32, #tpu.memory_space<vmem>> -> memref<128xi32, #tpu.memory_space<vmem>>
          %dma_start3A_150 = arith.constant 0 : i32
          %dma_start3A_151 = arith.constant 0 : i32
          %dma_start3A_152 = tpu.memref_slice %arg3[%dma_start3A_150, %dma_start3A_151] : memref<100000x128xf32, #tpu.memory_space<hbm>> -> memref<100000x128xf32, #tpu.memory_space<hbm>>
          tpu.enqueue_indirect_dma source(%dma_start3A_152 : memref<100000x128xf32, #tpu.memory_space<hbm>>) target(%dma_start3A_148 : memref<128x128xf32, #tpu.memory_space<vmem>>) offsets(%dma_start3A_149 : memref<128xi32, #tpu.memory_space<vmem>>) semaphore(%arg10 : memref<!tpu.dma_semaphore, #tpu.memory_space<semaphore_mem>>)
        } else {
        }
      } else {
      }
      %add3A_86 = arith.constant 2 : i32
      %add3A_87 = arith.addi %mul3A_74, %add3A_86 : i32
      %lt3A_88 = arith.constant 25 : i32
      %lt3A_89 = arith.cmpi slt, %add3A_87, %lt3A_88 : i32
      %convert_element_type3A_90 = arith.extui %lt3A_89 : i1 to i32
      %cond3A_91 = arith.constant 0 : i32
      %cond3A_92 = arith.cmpi ne, %convert_element_type3A_90, %cond3A_91 : i32
      scf.if %cond3A_92 {
        %dma_wait3A_93 = arith.constant 0 : i32
        %dma_wait3A_94 = arith.constant 0 : i32
        %dma_wait3A_95 = tpu.memref_slice %arg8[%dma_wait3A_93, %dma_wait3A_94] : memref<256x128xf32, #tpu.memory_space<vmem>> -> memref<128x128xf32, #tpu.memory_space<vmem>>
        %dma_wait3A_96 = arith.constant 0 : i32
        %dma_wait3A_97 = tpu.memref_slice %arg5[%dma_wait3A_96] : memref<6400xi32, #tpu.memory_space<vmem>> -> memref<128xi32, #tpu.memory_space<vmem>>
        %dma_wait3A_98 = arith.constant 0 : i32
        %dma_wait3A_99 = arith.constant 0 : i32
        %dma_wait3A_100 = tpu.memref_slice %arg3[%dma_wait3A_98, %dma_wait3A_99] : memref<100000x128xf32, #tpu.memory_space<hbm>> -> memref<100000x128xf32, #tpu.memory_space<hbm>>
        tpu.wait_indirect_dma semaphore(%arg11 : memref<!tpu.dma_semaphore, #tpu.memory_space<semaphore_mem>>) src(%dma_wait3A_100 : memref<100000x128xf32, #tpu.memory_space<hbm>>) dst(%dma_wait3A_95 : memref<128x128xf32, #tpu.memory_space<vmem>>)
        %dma_wait3A_101 = arith.constant 128 : i32
        %dma_wait3A_102 = arith.constant 0 : i32
        %dma_wait3A_103 = tpu.memref_slice %arg8[%dma_wait3A_101, %dma_wait3A_102] : memref<256x128xf32, #tpu.memory_space<vmem>> -> memref<128x128xf32, #tpu.memory_space<vmem>>
        %dma_wait3A_104 = arith.constant 0 : i32
        %dma_wait3A_105 = tpu.memref_slice %arg5[%dma_wait3A_104] : memref<6400xi32, #tpu.memory_space<vmem>> -> memref<128xi32, #tpu.memory_space<vmem>>
        %dma_wait3A_106 = arith.constant 0 : i32
        %dma_wait3A_107 = arith.constant 0 : i32
        %dma_wait3A_108 = tpu.memref_slice %arg3[%dma_wait3A_106, %dma_wait3A_107] : memref<100000x128xf32, #tpu.memory_space<hbm>> -> memref<100000x128xf32, #tpu.memory_space<hbm>>
        tpu.wait_indirect_dma semaphore(%arg11 : memref<!tpu.dma_semaphore, #tpu.memory_space<semaphore_mem>>) src(%dma_wait3A_108 : memref<100000x128xf32, #tpu.memory_space<hbm>>) dst(%dma_wait3A_103 : memref<128x128xf32, #tpu.memory_space<vmem>>)
        %mul3A_109 = arith.constant 256 : i32
        %mul3A_110 = arith.muli %add3A_87, %mul3A_109 : i32
        %add3A_111 = arith.addi %mul3A_2, %mul3A_110 : i32
        %dma_start3A_112 = arith.constant 0 : i32
        %dma_start3A_113 = tpu.memref_slice %arg4[%add3A_111, %dma_start3A_112] : memref<204800x128xf32, #tpu.memory_space<hbm>> -> memref<256x128xf32, #tpu.memory_space<hbm>>
        %dma_start3A_114 = arith.constant 0 : i32
        %dma_start3A_115 = tpu.memref_slice %arg4[%add3A_111, %dma_start3A_114] : memref<204800x128xf32, #tpu.memory_space<hbm>> -> memref<256x128xf32, #tpu.memory_space<hbm>>
        tpu.enqueue_dma source(%arg8 : memref<256x128xf32, #tpu.memory_space<vmem>>) target(%dma_start3A_115 : memref<256x128xf32, #tpu.memory_space<hbm>>) target_semaphore(%arg14 : memref<!tpu.dma_semaphore, #tpu.memory_space<semaphore_mem>>)
        %add3A_116 = arith.constant 3 : i32
        %add3A_117 = arith.addi %add3A_87, %add3A_116 : i32
        %lt3A_118 = arith.constant 25 : i32
        %lt3A_119 = arith.cmpi slt, %add3A_117, %lt3A_118 : i32
        %convert_element_type3A_120 = arith.extui %lt3A_119 : i1 to i32
        %cond3A_121 = arith.constant 0 : i32
        %cond3A_122 = arith.cmpi ne, %convert_element_type3A_120, %cond3A_121 : i32
        scf.if %cond3A_122 {
          %dma_wait3A_123 = arith.constant 0 : i32
          %dma_wait3A_124 = arith.constant 0 : i32
          %dma_wait3A_125 = tpu.memref_slice %arg4[%dma_wait3A_123, %dma_wait3A_124] : memref<204800x128xf32, #tpu.memory_space<hbm>> -> memref<256x128xf32, #tpu.memory_space<hbm>>
          %dma_wait3A_126 = arith.constant 0 : i32
          %dma_wait3A_127 = arith.constant 0 : i32
          %dma_wait3A_128 = tpu.memref_slice %arg4[%dma_wait3A_126, %dma_wait3A_127] : memref<204800x128xf32, #tpu.memory_space<hbm>> -> memref<256x128xf32, #tpu.memory_space<hbm>>
          tpu.wait_dma2 semaphore(%arg14 : memref<!tpu.dma_semaphore, #tpu.memory_space<semaphore_mem>>) src(%arg8 : memref<256x128xf32, #tpu.memory_space<vmem>>) dst(%dma_wait3A_128 : memref<256x128xf32, #tpu.memory_space<hbm>>)
          %add3A_129 = arith.constant 3 : i32
          %add3A_130 = arith.addi %add3A_87, %add3A_129 : i32
          %mul3A_131 = arith.constant 256 : i32
          %mul3A_132 = arith.muli %add3A_130, %mul3A_131 : i32
          %add3A_133 = arith.constant 0 : i32
          %add3A_134 = arith.addi %mul3A_132, %add3A_133 : i32
          %dma_start3A_135 = arith.constant 0 : i32
          %dma_start3A_136 = arith.constant 0 : i32
          %dma_start3A_137 = tpu.memref_slice %arg8[%dma_start3A_135, %dma_start3A_136] : memref<256x128xf32, #tpu.memory_space<vmem>> -> memref<128x128xf32, #tpu.memory_space<vmem>>
          %dma_start3A_138 = tpu.memref_slice %arg5[%add3A_134] : memref<6400xi32, #tpu.memory_space<vmem>> -> memref<128xi32, #tpu.memory_space<vmem>>
          %dma_start3A_139 = arith.constant 0 : i32
          %dma_start3A_140 = arith.constant 0 : i32
          %dma_start3A_141 = tpu.memref_slice %arg3[%dma_start3A_139, %dma_start3A_140] : memref<100000x128xf32, #tpu.memory_space<hbm>> -> memref<100000x128xf32, #tpu.memory_space<hbm>>
          tpu.enqueue_indirect_dma source(%dma_start3A_141 : memref<100000x128xf32, #tpu.memory_space<hbm>>) target(%dma_start3A_137 : memref<128x128xf32, #tpu.memory_space<vmem>>) offsets(%dma_start3A_138 : memref<128xi32, #tpu.memory_space<vmem>>) semaphore(%arg11 : memref<!tpu.dma_semaphore, #tpu.memory_space<semaphore_mem>>)
          %mul3A_142 = arith.constant 256 : i32
          %mul3A_143 = arith.muli %add3A_130, %mul3A_142 : i32
          %add3A_144 = arith.constant 128 : i32
          %add3A_145 = arith.addi %mul3A_143, %add3A_144 : i32
          %dma_start3A_146 = arith.constant 128 : i32
          %dma_start3A_147 = arith.constant 0 : i32
          %dma_start3A_148 = tpu.memref_slice %arg8[%dma_start3A_146, %dma_start3A_147] : memref<256x128xf32, #tpu.memory_space<vmem>> -> memref<128x128xf32, #tpu.memory_space<vmem>>
          %dma_start3A_149 = tpu.memref_slice %arg5[%add3A_145] : memref<6400xi32, #tpu.memory_space<vmem>> -> memref<128xi32, #tpu.memory_space<vmem>>
          %dma_start3A_150 = arith.constant 0 : i32
          %dma_start3A_151 = arith.constant 0 : i32
          %dma_start3A_152 = tpu.memref_slice %arg3[%dma_start3A_150, %dma_start3A_151] : memref<100000x128xf32, #tpu.memory_space<hbm>> -> memref<100000x128xf32, #tpu.memory_space<hbm>>
          tpu.enqueue_indirect_dma source(%dma_start3A_152 : memref<100000x128xf32, #tpu.memory_space<hbm>>) target(%dma_start3A_148 : memref<128x128xf32, #tpu.memory_space<vmem>>) offsets(%dma_start3A_149 : memref<128xi32, #tpu.memory_space<vmem>>) semaphore(%arg11 : memref<!tpu.dma_semaphore, #tpu.memory_space<semaphore_mem>>)
        } else {
        }
      } else {
      }
    }
    %scan3A_54 = arith.constant 9 : i32
    %dma_wait3A = arith.constant 0 : i32
    %dma_wait3A_55 = arith.constant 0 : i32
    %dma_wait3A_56 = tpu.memref_slice %arg4[%dma_wait3A, %dma_wait3A_55] : memref<204800x128xf32, #tpu.memory_space<hbm>> -> memref<256x128xf32, #tpu.memory_space<hbm>>
    %dma_wait3A_57 = arith.constant 0 : i32
    %dma_wait3A_58 = arith.constant 0 : i32
    %dma_wait3A_59 = tpu.memref_slice %arg4[%dma_wait3A_57, %dma_wait3A_58] : memref<204800x128xf32, #tpu.memory_space<hbm>> -> memref<256x128xf32, #tpu.memory_space<hbm>>
    tpu.wait_dma2 semaphore(%arg12 : memref<!tpu.dma_semaphore, #tpu.memory_space<semaphore_mem>>) src(%arg6 : memref<256x128xf32, #tpu.memory_space<vmem>>) dst(%dma_wait3A_59 : memref<256x128xf32, #tpu.memory_space<hbm>>)
    %dma_wait3A_60 = arith.constant 0 : i32
    %dma_wait3A_61 = arith.constant 0 : i32
    %dma_wait3A_62 = tpu.memref_slice %arg4[%dma_wait3A_60, %dma_wait3A_61] : memref<204800x128xf32, #tpu.memory_space<hbm>> -> memref<256x128xf32, #tpu.memory_space<hbm>>
    %dma_wait3A_63 = arith.constant 0 : i32
    %dma_wait3A_64 = arith.constant 0 : i32
    %dma_wait3A_65 = tpu.memref_slice %arg4[%dma_wait3A_63, %dma_wait3A_64] : memref<204800x128xf32, #tpu.memory_space<hbm>> -> memref<256x128xf32, #tpu.memory_space<hbm>>
    tpu.wait_dma2 semaphore(%arg13 : memref<!tpu.dma_semaphore, #tpu.memory_space<semaphore_mem>>) src(%arg7 : memref<256x128xf32, #tpu.memory_space<vmem>>) dst(%dma_wait3A_65 : memref<256x128xf32, #tpu.memory_space<hbm>>)
    %dma_wait3A_66 = arith.constant 0 : i32
    %dma_wait3A_67 = arith.constant 0 : i32
    %dma_wait3A_68 = tpu.memref_slice %arg4[%dma_wait3A_66, %dma_wait3A_67] : memref<204800x128xf32, #tpu.memory_space<hbm>> -> memref<256x128xf32, #tpu.memory_space<hbm>>
    %dma_wait3A_69 = arith.constant 0 : i32
    %dma_wait3A_70 = arith.constant 0 : i32
    %dma_wait3A_71 = tpu.memref_slice %arg4[%dma_wait3A_69, %dma_wait3A_70] : memref<204800x128xf32, #tpu.memory_space<hbm>> -> memref<256x128xf32, #tpu.memory_space<hbm>>
    tpu.wait_dma2 semaphore(%arg14 : memref<!tpu.dma_semaphore, #tpu.memory_space<semaphore_mem>>) src(%arg8 : memref<256x128xf32, #tpu.memory_space<vmem>>) dst(%dma_wait3A_71 : memref<256x128xf32, #tpu.memory_space<hbm>>)
    return
  }
}

</mosaic_0001>

<sc_bundles>
// kernel: kernel.3.cloned.1.call-start
scs
__scs_entry_jumppad:
0x0: {  	(pc) =	sbr.rel $0x88, $3  }
0x1: {  	(tag) =	ssettag $0x0;
	lr =	simm.s32 $0x1  }
0x2: {  	[smem:$0x3F9F] =	sst lr;
	_ =	strace $0xD0000000  }
0x3: {  	_ = 	snop  }
0x4: {  	_ = 	snop  }
0x5: {  	_ = 	snop  }
0x6: {  	_ = 	snop  }
0x7: {  	_ = 	snop  }
__scs_overlays_trampoline_lowered:
0x8: {  	[smem:$0x3FAE] =	sst s0  }
0x9: {  	[smem:$0x3FAF] =	sst s1  }
0xa: {  	[smem:$0x3FB0] =	sst s2  }
0xb: {  	[smem:$0x3FB1] =	sst s3  }
0xc: {  	[smem:$0x3FB2] =	sst s4  }
0xd: {  	[smem:$0x3FB3] =	sst s5  }
0xe: {  	[smem:$0x3FB4] =	sst s6  }
0xf: {  	[smem:$0x3FB5] =	sst s7  }
0x10: {  	[smem:$0x3FB6] =	sst s8  }
0x11: {  	[smem:$0x3FB7] =	sst s9;
	s0 =	simm.s32 @!p0 $0x0  }
0x12: {  	s1 =	sld [smem:$0x3F9D];
	s0 =	simm.s32 @p0 $0x1  }
0x13: {  	[smem:$0x3FB8] =	sst s0;
	s0 =	simm.s32 @!p1 $0x0  }
0x14: {  	s2 =	sld [smem:$0x3F9C];
	s0 =	simm.s32 @p1 $0x1  }
0x15: {  	[smem:$0x3FB9] =	sst s0;
	s0 =	simm.s32 @!p2 $0x0  }
0x16: {  	s3 =	sld [smem:$0x3FDB];
	s0 =	simm.s32 @p2 $0x1  }
0x17: {  	s4 =	simm.s32 $0x1BF5;
	[smem:$0x3FBB] =	sst s0  }
0x18: {  	s0 =	sld [smem:$0x3F9E];
	_ =	swait.ge [sflag:s4], $0x0  }
0x19: {  	s7 =	sld [smem:$0x3F9F]  }
0x1a: {  	s8 =	sadd.s32 $0xFFFFE003, lr  }
0x1b: {  	s9 =	sadd.s32 $0xFFFFFEF7, lr;
	s5 =	simm.s32 $0xFFFFFFFF;
	p2 =	slt.u32 s8, $0xFFFFF086  }
0x1c: {  	p1 =	slt.u32 s9, $0xF7A;
	s5 =	simm.s32 @!p2 $0x0  }
0x1d: {  	s5 =	simm.s32 @p1 $0x1;
	p0 =	seq.s32 s7, s2  }
0x1e: {  	s7 =	smul.u32 @!p0 $0xF7A, s2;
	p2 =	seq.s32 @!p0 s5, $0x0  }
0x1f: {  	s9 =	smul.u32 $0xF7A, s1;
	s8 =	simm.s32 @!p0 $0x1BF5;
	p2 =	por !p2, p0  }
0x20: {  	[sflag:s8] =	ssyncset.s32 @!p0 $0xFFFFF086;
	s6 =	sadd.s32 @!p0 s3, s7;
	s7 =	simm.s32 @!p0 $0x108  }
0x21: {  	s3 =	sadd.s32 s3, s9;
	s6 =	sadd.s32 @!p0 $0x88, s6;
	s7 =	simm.s32 @p2 $0x1082  }
0x22: {  	[simem:s7], [sflag:s8] =	dma.local @!p0 [hbm:s6], $0xF7A  }
0x23: {  	s9 =	sor.u32 $0xD0000000, s2;
	s6 =	simm.s32 $0x108;
	_ =	swait.ge @!p0 [sflag:s8], $0x0  }
0x24: {  	s3 =	sadd.s32 $0x88, s3;
	s6 =	simm.s32 @!p1 $0x1082;
	[sflag:s4] =	ssyncset.s32 $0xFFFFF086  }
0x25: {  	[simem:s6], [sflag:s4] =	dma.local [hbm:s3], $0xF7A  }
0x26: {  	[smem:$0x3F9F] =	sst s1;
	(tag) =	ssettag s2;
	_ =	strace s9  }
0x27: {  	s1 =	sld [smem:$0x3FAF]  }
0x28: {  	s2 =	sld [smem:$0x3FB0]  }
0x29: {  	s4 =	sld [smem:$0x3FB2]  }
0x2a: {  	p0 =	seq.s32 s5, $0x0;
	s5 =	sld [smem:$0x3FB3]  }
0x2b: {  	s6 =	sld [smem:$0x3FB4]  }
0x2c: {  	s7 =	sld [smem:$0x3FB5]  }
0x2d: {  	s3 =	simm.s32 $0x108;
	s8 =	sld [smem:$0x3FB6]  }
0x2e: {  	s3 =	simm.s32 @!p0 $0x1082;
	s9 =	sld [smem:$0x3FB7]  }
0x2f: {  	lr =	sadd.s32 s0, s3;
	s0 =	sld [smem:$0x3FAE]  }
0x30: {  	s3 =	sld [smem:$0x3FB1]  }
0x31: {  	[smem:$0x3FBA] =	sst s10  }
0x32: {  	s10 =	sld [smem:$0x3FB8];
	_ =	sdelay $0x3  }
0x33: {  	p0 =	seq.s32 s10, $0x1;
	s10 =	sld [smem:$0x3FBA];
	_ =	sdelay $0x3  }
0x34: {  	[smem:$0x3FBA] =	sst s10  }
0x35: {  	s10 =	sld [smem:$0x3FB9];
	_ =	sdelay $0x3  }
0x36: {  	p1 =	seq.s32 s10, $0x1;
	s10 =	sld [smem:$0x3FBA];
	_ =	sdelay $0x3  }
0x37: {  	[smem:$0x3FBA] =	sst s10  }
0x38: {  	s10 =	sld [smem:$0x3FBB]  }
0x39: {  	_ = 	snop;
	(pc) =	sbr.ind lr, $3  }
0x3a: {  	_ = 	snop  }
0x3b: {  	_ = 	snop  }
0x3c: {  	p2 =	seq.s32 s10, $0x1;
	s10 =	sld [smem:$0x3FBA]  }
0x3d: {  	_ =	shalt  }
0x3e: {  	_ =	shalt  }
0x3f: {  	_ =	shalt  }
0x40: {  	_ =	shalt  }
0x41: {  	_ =	shalt  }
0x42: {  	_ =	shalt  }
0x43: {  	_ =	shalt  }
0x44: {  	_ =	shalt  }
0x45: {  	_ =	shalt  }
0x46: {  	_ =	shalt  }
0x47: {  	_ =	shalt  }
0x48: {  	_ =	shalt  }
0x49: {  	_ =	shalt  }
0x4a: {  	_ =	shalt  }
0x4b: {  	_ =	shalt  }
0x4c: {  	_ =	shalt  }
0x4d: {  	_ =	shalt  }
0x4e: {  	_ =	shalt  }
0x4f: {  	_ =	shalt  }
0x50: {  	_ =	shalt  }
0x51: {  	_ =	shalt  }
0x52: {  	_ =	shalt  }
0x53: {  	_ =	shalt  }
0x54: {  	_ =	shalt  }
0x55: {  	_ =	shalt  }
0x56: {  	_ =	shalt  }
0x57: {  	_ =	shalt  }
0x58: {  	_ =	shalt  }
0x59: {  	_ =	shalt  }
0x5a: {  	_ =	shalt  }
0x5b: {  	_ =	shalt  }
0x5c: {  	_ =	shalt  }
0x5d: {  	_ =	shalt  }
0x5e: {  	_ =	shalt  }
0x5f: {  	_ =	shalt  }
0x60: {  	_ =	shalt  }
0x61: {  	_ =	shalt  }
0x62: {  	_ =	shalt  }
0x63: {  	_ =	shalt  }
0x64: {  	_ =	shalt  }
0x65: {  	_ =	shalt  }
0x66: {  	_ =	shalt  }
0x67: {  	_ =	shalt  }
0x68: {  	_ =	shalt  }
0x69: {  	_ =	shalt  }
0x6a: {  	_ =	shalt  }
0x6b: {  	_ =	shalt  }
0x6c: {  	_ =	shalt  }
0x6d: {  	_ =	shalt  }
0x6e: {  	_ =	shalt  }
0x6f: {  	_ =	shalt  }
0x70: {  	_ =	shalt  }
0x71: {  	_ =	shalt  }
0x72: {  	_ =	shalt  }
0x73: {  	_ =	shalt  }
0x74: {  	_ =	shalt  }
0x75: {  	_ =	shalt  }
0x76: {  	_ =	shalt  }
0x77: {  	_ =	shalt  }
0x78: {  	_ =	shalt  }
0x79: {  	_ =	shalt  }
0x7a: {  	_ =	shalt  }
0x7b: {  	_ =	shalt  }
0x7c: {  	_ =	shalt  }
0x7d: {  	_ =	shalt  }
0x7e: {  	_ =	shalt  }
0x7f: {  	_ =	shalt  }
0x80: {  	_ =	shalt  }
0x81: {  	_ =	shalt  }
0x82: {  	_ =	shalt  }
0x83: {  	_ =	shalt  }
0x84: {  	_ =	shalt  }
0x85: {  	_ =	shalt  }
0x86: {  	_ =	shalt  }
0x87: {  	_ =	shalt  }
.Lfunc_end0:
.L_simem_size_0:
called_computation_lowered:
.L_overlay_start_0:
0x88: {  	s2 =	sld [smem:$0x3FD9]  }
0x89: {  	s3 =	sld [smem:$0x3FFE];
	_ =	sdelay $0x1  }
0x8a: {  	s1 =	srdreg.scid  }
0x8b: {  	s0 =	sand.u32 $0x1, s1  }
0x8c: {  	s17 =	sshll.u32 s0, $0xA;
	s2 =	sadd.s32 s3, s2  }
0x8d: {  	s2 =	sadd.s32 s2, s17  }
0x8e: {  	[smem:$0x3FC6] =	sst s2  }
0x8f: {  	_ = 	snop  }
0x90: {  	s2 =	sld [smem:$0x3FC8]  }
0x91: {  	s18 =	sld [smem:$0x3FD0];
	(tm) =	ssettm $0x1  }
0x92: {  	s4 =	sld [smem:$0x3FFB];
	_ =	sdelay $0x3  }
0x93: {  	_ =	strace s4  }
0x94: {  	s4 =	sld [smem:$0x3FFC];
	_ =	sdelay $0x3  }
0x95: {  	_ =	strace s4  }
0x96: {  	s4 =	sld [smem:$0x3FFD];
	_ =	sdelay $0x3  }
0x97: {  	_ =	strace s4  }
0x98: {  	_ =	strace $0x8FFFFFFF  }
0x99: {  	s19 =	sld [smem:$0x3FDB];
	_ =	sdelay $0x1  }
0x9a: {  	s5 =	simm.s32 $_scs_section_size  }
0x9b: {  	s6 =	simm.s32 $_size__tile_overlayer_lowered;
	s7 =	simm.s32 $_tile_overlayer_lowered  }
0x9c: {  	s22 =	simm.s32 $0x1BFF;
	s21 =	sshll.u32 s7, $0x1;
	s4 =	sadd.s32 s5, s19  }
0x9d: {  	s8 =	simm.s32 $0x0;
	s20 =	sshll.u32 s6, $0x1;
	s6 =	sadd.s32 s21, s4  }
0x9e: {  	[timem:s8], [sflag:s22] =	dma.local [hbm:s6], s20  }
0x9f: {  	_ =	swait.ge [sflag:s22], s20  }
0xa0: {  	s5 =	ssub.s32 $0x0, s20;
	[sflag:s22] =	ssyncset.done $0x0  }
0xa1: {  	[sflag:s22] =	ssyncadd.s32 s5;
	_ =	sdelay $0x1  }
0xa2: {  	s23 =	simm.s32 $0x1B8B  }
0xa3: {  	_ =	swait.ge [sflag:s23], $0x1  }
0xa4: {  	[sflag:s23] =	ssyncset.done $0x0  }
0xa5: {  	s25 =	simm.s32 $0x1B8E;
	s24 =	sld [smem:$0x3FFE];
	[sflag:s23] =	ssyncadd.s32 $0xFFFFFFFF  }
0xa6: {  	s26 =	simm.s32 $execute0_lowered;
	[smem:$0x3FD2] =	sst s25  }
0xa7: {  	s6 =	sshll.u32 s26, $0x1;
	_ =	strace $0x80000046;
	[dreg:$0x1] =	wrdreg $0xFFFFFFFF  }
0xa8: {  	s28 =	simm.s32 $_size_execute0_lowered;
	s4 =	sadd.s32 s4, s6;
	[dreg:$0x0] =	wrdreg $0x0  }
0xa9: {  	s6 =	sshll.u32 s28, $0x1;
	[dreg:$0x2] =	wrdreg s4  }
0xaa: {  	[dreg:$0x3] =	wrdreg s6  }
0xab: {  	[dreg:$0x4] =	wrdreg $0xC0  }
0xac: {  	_ =	task [dreg:s8], $0x5FFFF  }
0xad: {  	[dreg:$0x1] =	wrdreg $0xFFFFFFFF  }
0xae: {  	[dreg:$0x0] =	wrdreg $0x60  }
0xaf: {  	[dreg:$0x2] =	wrdreg s24  }
0xb0: {  	[dreg:$0x3] =	wrdreg s2  }
0xb1: {  	[dreg:$0x4] =	wrdreg s18  }
0xb2: {  	[dreg:$0x5] =	wrdreg $0x9  }
0xb3: {  	_ =	task.clear_ibuf [dreg:s8], $0x6FFFF;
	_ =	strace $0x90000046  }
0xb4: {  	s29 =	simm.s32 $0x9;
	_ =	strace $0x80000048  }
0xb5: {  	_ =	swait.ge [sflag:s29], $0x1  }
0xb6: {  	[sflag:s29] =	ssyncadd.s32 $0xFFFFFFFF  }
0xb7: {  	_ =	strace $0x90000048  }
0xb8: {  	_ =	sfence  }
0xb9: {  	s30 =	sld [smem:$0x0];
	_ =	sdelay $0x2  }
0xba: {  	s31 =	sshll.u32 s1, $0xD;
	s1 =	sshrl.u32 s1, $0x2  }
0xbb: {  	s3 =	sand.u32 $0x4000, s31;
	s1 =	sadd.s32 s1, s30  }
0xbc: {  	s0 =	sor.u32 s3, s0;
	s1 =	sshll.u32 s1, $0x11  }
0xbd: {  	s0 =	sor.u32 s1, s0  }
0xbe: {  	s0 =	sadd.s32 $0x8F2B, s0  }
0xbf: {  	[sflag:s0] =	ssyncadd.remote.s32 $0x1  }
0xc0: {  	_ =	sfence.sel $0xFFFF  }
0xc1: {  	[dreg:$0x0] =	wrdreg $0xFFFFFFFF;
	(pc) =	sbr.abs _section_cstart, $3  }
0xc2: {  	[dreg:$0x1] =	wrdreg $0xFFFFFFFF  }
0xc3: {  	_ =	task.clear_ibuf [dreg:s8], $0x2FFFF;
	_ =	strace $0x9FFFFFFF  }
0xc4: {  	(tm) =	ssettm $0x7FFFFFFF  }
0xc5: {  	_ =	shalt  }
tec
execute0_lowered:
.L_overlay_start_1:
0x0: {  	(tag) =	ssettag $0x1  }
0x1: {  	s0 =	rddreg [dreg:$0x0]  }
0x2: {  	s1 =	srdreg.scid;
	s2 =	rddreg [dreg:$0x1]  }
0x3: {  	s13 =	stileid.u32;
	s12 =	rddreg [dreg:$0x2];
	s14 =	simm.s32 $0x80  }
0x4: {  	s15 =	simm.s32 $0x1900;
	s16 =	simm.s32 $0x5900;
	s18 =	simm.s32 $0x9900  }
0x5: {  	s28 =	simm.s32 $0x2;
	s29 =	simm.s32 $0x5;
	s10 =	smul.u32 $0x190000, s13  }
0x6: {  	s30 =	simm.s32 $0x3;
	s1 =	sand.u32 $0x1, s1;
	s23 =	smul.u32 $0x32000, s13  }
0x7: {  	s31 =	simm.s32 $0x6;
	s3 =	sshll.u32 s13, $0x1;
	s11 =	smul.u32 $0xC8000, s1  }
0x8: {  	s4 =	sor.u32 s1, s3;
	s6 =	ssub.s32 $0x2, s1;
	s1 =	smul.u32 $0x19000, s1  }
0x9: {  	s13 =	simm.s32 $0x7;
	s3 =	simm.s32 $0x0;
	s5 =	smul.u32 $0x1900, s4  }
0xa: {  	[smem:$0x7FF] =	sst s3;
	s7 =	sshrl.u32 s6, $0x1;
	s20 =	smul.u32 $0x19000, s4  }
0xb: {  	s8 =	smul.u32 $0xC8000, s4;
	s19 =	ssub.s32 s6, s7;
	_ =	strace $0x80000047  }
0xc: {  	s10 =	sadd.s32 s11, s10;
	s5 =	sshrl.u32 s5, $0x3;
	s21 =	sadd.s32 s12, s20  }
0xd: {  	s22 =	sshrl.u32 s8, $0x3;
	s11 =	sadd.s32 $0x10000, s10;
	s24 =	sadd.s32 $0x8000, s10  }
0xe: {  	s20 =	simm.s32 $0xD900;
	s0 =	sadd.s32 s5, s0;
	s5 =	smax.u32 s19, $0x1  }
0xf: {  	s6 =	sadd.s32 $0x18000, s21;
	s9 =	sadd.s32 s12, s22;
	s7 =	sadd.s32 $0x15000, s21  }
0x10: {  	s25 =	sshrl.u32 s11, $0x3;
	s26 =	sshrl.u32 s24, $0x3;
	s22 =	simm.s32 $0x11900  }
0x11: {  	s24 =	simm.s32 $0x15900;
	s0 =	sadd.s32 $0x400, s0;
	s8 =	sadd.s32 $0x16000, s9  }
0x12: {  	s9 =	sadd.s32 $0x17000, s9;
	s11 =	sadd.s32 s25, s12;
	s25 =	simm.s32 $0x1  }
0x13: {  	[dreg:$0x4] =	wrdreg s0;
	s0 =	sadd.s32 s23, s12;
	s12 =	sadd.s32 s26, s12  }
0x14: {  	s26 =	simm.s32 $0x4;
	s10 =	sadd.s32 s1, s0;
	s1 =	simm.s32 $0x0  }
.LBB2_1:
0x15: {  	s0 =	rddreg [dreg:$0x4]  }
0x16: {  	[tilespmem:s3], [sflag:$0x7] =	stream.linear.gather [hbm4b:s0+s3], $0x1900, $0x38;
	[tilespmem:$0x19900] =	vst v63  }
0x17: {  	_ =	swait.ge [sflag:s13], $0x1900  }
0x18: {  	[sflag:s13] =	ssyncset.done $0x0  }
0x19: {  	[sflag:s13] =	ssyncadd.s32 $0xFFFFE700  }
0x1a: {  	[tilespmem:s15], [sflag:$0x1] =	stream.indirect.gather [hbm4b:s2+s14], $0x80, s3, s14, $0xb8;
	[tilespmem:$0x19900] =	vst v63  }
0x1b: {  	_ = 	snop  }
0x1c: {  	[tilespmem:s16], [sflag:$0x1] =	stream.indirect.gather [hbm4b:s2+s14], $0x80, s14, s14, $0xb8;
	[tilespmem:$0x19900] =	vst v63  }
0x1d: {  	s17 =	simm.s32 $0x100  }
0x1e: {  	[tilespmem:s18], [sflag:$0x2] =	stream.indirect.gather [hbm4b:s2+s14], $0x80, s17, s14, $0xb8;
	[tilespmem:$0x19900] =	vst v63  }
0x1f: {  	s19 =	simm.s32 $0x180  }
0x20: {  	[tilespmem:s20], [sflag:$0x2] =	stream.indirect.gather [hbm4b:s2+s14], $0x80, s19, s14, $0xb8;
	[tilespmem:$0x19900] =	vst v63  }
0x21: {  	s21 =	simm.s32 $0x200  }
0x22: {  	[tilespmem:s22], [sflag:$0x3] =	stream.indirect.gather [hbm4b:s2+s14], $0x80, s21, s14, $0xb8;
	[tilespmem:$0x19900] =	vst v63  }
0x23: {  	s23 =	simm.s32 $0x280  }
0x24: {  	[tilespmem:s24], [sflag:$0x3] =	stream.indirect.gather [hbm4b:s2+s14], $0x80, s23, s14, $0xb8;
	[tilespmem:$0x19900] =	vst v63  }
0x25: {  	_ =	swait.ge [sflag:s25], $0x4000  }
0x26: {  	[sflag:s25] =	ssyncset.done $0x0  }
0x27: {  	[sflag:s25] =	ssyncadd.s32 $0xFFFFC000  }
0x28: {  	_ =	swait.ge [sflag:s25], $0x4000  }
0x29: {  	[sflag:s25] =	ssyncset.done $0x0  }
0x2a: {  	[sflag:s25] =	ssyncadd.s32 $0xFFFFC000  }
0x2b: {  	[hbm4b:s10+s3] =	stream.linear.scatter [tilespmem:s15], [sflag:$0x4], $0x8000, $0x38;
	[tilespmem:$0x19900] =	vst v63  }
0x2c: {  	_ =	swait.ge [sflag:s26], $0x8000  }
0x2d: {  	[sflag:s26] =	ssyncset.done $0x0  }
0x2e: {  	s4 =	simm.s32 $0x300;
	[sflag:s26] =	ssyncadd.s32 $0xFFFF8000  }
0x2f: {  	[tilespmem:s15], [sflag:$0x1] =	stream.indirect.gather [hbm4b:s2+s14], $0x80, s4, s14, $0xb8;
	[tilespmem:$0x19900] =	vst v63  }
0x30: {  	s17 =	simm.s32 $0x380  }
0x31: {  	[tilespmem:s16], [sflag:$0x1] =	stream.indirect.gather [hbm4b:s2+s14], $0x80, s17, s14, $0xb8;
	[tilespmem:$0x19900] =	vst v63  }
0x32: {  	_ =	swait.ge [sflag:s28], $0x4000  }
0x33: {  	[sflag:s28] =	ssyncset.done $0x0  }
0x34: {  	[sflag:s28] =	ssyncadd.s32 $0xFFFFC000  }
0x35: {  	_ =	swait.ge [sflag:s28], $0x4000  }
0x36: {  	[sflag:s28] =	ssyncset.done $0x0  }
0x37: {  	[sflag:s28] =	ssyncadd.s32 $0xFFFFC000  }
0x38: {  	[hbm4b:s12+s3] =	stream.linear.scatter [tilespmem:s18], [sflag:$0x5], $0x8000, $0x38;
	[tilespmem:$0x19900] =	vst v63  }
0x39: {  	_ =	swait.ge [sflag:s29], $0x8000  }
0x3a: {  	[sflag:s29] =	ssyncset.done $0x0  }
0x3b: {  	s19 =	simm.s32 $0x400;
	[sflag:s29] =	ssyncadd.s32 $0xFFFF8000  }
0x3c: {  	[tilespmem:s18], [sflag:$0x2] =	stream.indirect.gather [hbm4b:s2+s14], $0x80, s19, s14, $0xb8;
	[tilespmem:$0x19900] =	vst v63  }
0x3d: {  	s21 =	simm.s32 $0x480  }
0x3e: {  	[tilespmem:s20], [sflag:$0x2] =	stream.indirect.gather [hbm4b:s2+s14], $0x80, s21, s14, $0xb8;
	[tilespmem:$0x19900] =	vst v63  }
0x3f: {  	_ =	swait.ge [sflag:s30], $0x4000  }
0x40: {  	[sflag:s30] =	ssyncset.done $0x0  }
0x41: {  	[sflag:s30] =	ssyncadd.s32 $0xFFFFC000  }
0x42: {  	_ =	swait.ge [sflag:s30], $0x4000  }
0x43: {  	[sflag:s30] =	ssyncset.done $0x0  }
0x44: {  	[sflag:s30] =	ssyncadd.s32 $0xFFFFC000  }
0x45: {  	[hbm4b:s11+s3] =	stream.linear.scatter [tilespmem:s22], [sflag:$0x6], $0x8000, $0x38;
	[tilespmem:$0x19900] =	vst v63  }
0x46: {  	_ =	swait.ge [sflag:s31], $0x8000  }
0x47: {  	s0 =	simm.s32 $0xC00;
	[sflag:s31] =	ssyncset.done $0x0  }
0x48: {  	s23 =	simm.s32 $0x500;
	s17 =	sadd.s32 $0x3000, s12;
	[sflag:s31] =	ssyncadd.s32 $0xFFFF8000  }
0x49: {  	[tilespmem:s22], [sflag:$0x3] =	stream.indirect.gather [hbm4b:s2+s14], $0x80, s23, s14, $0xb8;
	[tilespmem:$0x19900] =	vst v63  }
0x4a: {  	s19 =	sadd.s32 $0x3000, s10;
	s21 =	sadd.s32 $0x3000, s11;
	s23 =	simm.s32 $0x580  }
.LBB2_2:
0x4b: {  	[tilespmem:s24], [sflag:$0x3] =	stream.indirect.gather [hbm4b:s2+s14], $0x80, s23, s14, $0xb8;
	[tilespmem:$0x19900] =	vst v63  }
0x4c: {  	s23 =	smov.u32 s0;
	s0 =	sadd.s32 $0xC00, s0;
	_ =	swait.ge [sflag:s25], $0x4000  }
0x4d: {  	p0 =	sne.s32 s0, $0x5400;
	[sflag:s25] =	ssyncset.done $0x0  }
0x4e: {  	[sflag:s25] =	ssyncadd.s32 $0xFFFFC000  }
0x4f: {  	_ =	swait.ge [sflag:s25], $0x4000  }
0x50: {  	[sflag:s25] =	ssyncset.done $0x0  }
0x51: {  	[sflag:s25] =	ssyncadd.s32 $0xFFFFC000  }
0x52: {  	[hbm4b:s19+s3] =	stream.linear.scatter [tilespmem:s15], [sflag:$0x4], $0x8000, $0x38;
	[tilespmem:$0x19900] =	vst v63  }
0x53: {  	_ =	swait.ge [sflag:s26], $0x8000  }
0x54: {  	s23 =	sshra.s32 s23, $0x2;
	[sflag:s26] =	ssyncset.done $0x0  }
0x55: {  	s4 =	sadd.s32 $0x300, s23;
	[sflag:s26] =	ssyncadd.s32 $0xFFFF8000  }
0x56: {  	[tilespmem:s15], [sflag:$0x1] =	stream.indirect.gather [hbm4b:s2+s14], $0x80, s4, s14, $0xb8;
	[tilespmem:$0x19900] =	vst v63  }
0x57: {  	s4 =	sadd.s32 $0x380, s23  }
0x58: {  	[tilespmem:s16], [sflag:$0x1] =	stream.indirect.gather [hbm4b:s2+s14], $0x80, s4, s14, $0xb8;
	[tilespmem:$0x19900] =	vst v63  }
0x59: {  	_ =	swait.ge [sflag:s28], $0x4000  }
0x5a: {  	[sflag:s28] =	ssyncset.done $0x0  }
0x5b: {  	[sflag:s28] =	ssyncadd.s32 $0xFFFFC000  }
0x5c: {  	_ =	swait.ge [sflag:s28], $0x4000  }
0x5d: {  	[sflag:s28] =	ssyncset.done $0x0  }
0x5e: {  	[sflag:s28] =	ssyncadd.s32 $0xFFFFC000  }
0x5f: {  	[hbm4b:s17+s3] =	stream.linear.scatter [tilespmem:s18], [sflag:$0x5], $0x8000, $0x38;
	[tilespmem:$0x19900] =	vst v63  }
0x60: {  	_ =	swait.ge [sflag:s29], $0x8000  }
0x61: {  	[sflag:s29] =	ssyncset.done $0x0  }
0x62: {  	s4 =	sadd.s32 $0x400, s23;
	[sflag:s29] =	ssyncadd.s32 $0xFFFF8000  }
0x63: {  	[tilespmem:s18], [sflag:$0x2] =	stream.indirect.gather [hbm4b:s2+s14], $0x80, s4, s14, $0xb8;
	[tilespmem:$0x19900] =	vst v63  }
0x64: {  	s4 =	sadd.s32 $0x480, s23  }
0x65: {  	[tilespmem:s20], [sflag:$0x2] =	stream.indirect.gather [hbm4b:s2+s14], $0x80, s4, s14, $0xb8;
	[tilespmem:$0x19900] =	vst v63  }
0x66: {  	_ =	swait.ge [sflag:s30], $0x4000  }
0x67: {  	[sflag:s30] =	ssyncset.done $0x0  }
0x68: {  	[sflag:s30] =	ssyncadd.s32 $0xFFFFC000  }
0x69: {  	_ =	swait.ge [sflag:s30], $0x4000  }
0x6a: {  	[sflag:s30] =	ssyncset.done $0x0  }
0x6b: {  	[sflag:s30] =	ssyncadd.s32 $0xFFFFC000  }
0x6c: {  	[hbm4b:s21+s3] =	stream.linear.scatter [tilespmem:s22], [sflag:$0x6], $0x8000, $0x38;
	[tilespmem:$0x19900] =	vst v63  }
.Ltmp0:
0x6d: {  	_ =	swait.ge [sflag:s31], $0x8000;
	(pc) =	sbr.rel @p0 .LBB2_2-.Ltmp0, $4  }
0x6e: {  	[sflag:s31] =	ssyncset.done $0x0  }
0x6f: {  	s17 =	sadd.s32 $0x3000, s17;
	s4 =	sadd.s32 $0x500, s23;
	[sflag:s31] =	ssyncadd.s32 $0xFFFF8000  }
0x70: {  	[tilespmem:s22], [sflag:$0x3] =	stream.indirect.gather [hbm4b:s2+s14], $0x80, s4, s14, $0xb8;
	[tilespmem:$0x19900] =	vst v63  }
0x71: {  	s19 =	sadd.s32 $0x3000, s19;
	s23 =	sadd.s32 $0x580, s23;
	s21 =	sadd.s32 $0x3000, s21  }
0x72: {  	[tilespmem:s24], [sflag:$0x3] =	stream.indirect.gather [hbm4b:s2+s14], $0x80, s23, s14, $0xb8;
	[tilespmem:$0x19900] =	vst v63  }
0x73: {  	_ =	swait.ge [sflag:s25], $0x4000  }
0x74: {  	[sflag:s25] =	ssyncset.done $0x0  }
0x75: {  	[sflag:s25] =	ssyncadd.s32 $0xFFFFC000  }
0x76: {  	_ =	swait.ge [sflag:s25], $0x4000  }
0x77: {  	[sflag:s25] =	ssyncset.done $0x0  }
0x78: {  	[sflag:s25] =	ssyncadd.s32 $0xFFFFC000  }
0x79: {  	[hbm4b:s7+s3] =	stream.linear.scatter [tilespmem:s15], [sflag:$0x4], $0x8000, $0x38;
	[tilespmem:$0x19900] =	vst v63  }
0x7a: {  	_ =	swait.ge [sflag:s26], $0x8000  }
0x7b: {  	s0 =	sshra.s32 s0, $0x2;
	[sflag:s26] =	ssyncset.done $0x0  }
0x7c: {  	s4 =	sadd.s32 $0x300, s0;
	[sflag:s26] =	ssyncadd.s32 $0xFFFF8000  }
0x7d: {  	[tilespmem:s15], [sflag:$0x1] =	stream.indirect.gather [hbm4b:s2+s14], $0x80, s4, s14, $0xb8;
	[tilespmem:$0x19900] =	vst v63  }
0x7e: {  	s0 =	sadd.s32 $0x380, s0  }
0x7f: {  	[tilespmem:s16], [sflag:$0x1] =	stream.indirect.gather [hbm4b:s2+s14], $0x80, s0, s14, $0xb8;
	[tilespmem:$0x19900] =	vst v63  }
0x80: {  	_ =	swait.ge [sflag:s28], $0x4000  }
0x81: {  	[sflag:s28] =	ssyncset.done $0x0  }
0x82: {  	[sflag:s28] =	ssyncadd.s32 $0xFFFFC000  }
0x83: {  	_ =	swait.ge [sflag:s28], $0x4000  }
0x84: {  	[sflag:s28] =	ssyncset.done $0x0  }
0x85: {  	[sflag:s28] =	ssyncadd.s32 $0xFFFFC000  }
0x86: {  	[hbm4b:s8+s3] =	stream.linear.scatter [tilespmem:s18], [sflag:$0x5], $0x8000, $0x38;
	[tilespmem:$0x19900] =	vst v63  }
0x87: {  	_ =	swait.ge [sflag:s30], $0x4000  }
0x88: {  	[sflag:s30] =	ssyncset.done $0x0  }
0x89: {  	[sflag:s30] =	ssyncadd.s32 $0xFFFFC000  }
0x8a: {  	_ =	swait.ge [sflag:s30], $0x4000  }
0x8b: {  	[sflag:s30] =	ssyncset.done $0x0  }
0x8c: {  	[sflag:s30] =	ssyncadd.s32 $0xFFFFC000  }
0x8d: {  	[hbm4b:s9+s3] =	stream.linear.scatter [tilespmem:s22], [sflag:$0x6], $0x8000, $0x38;
	[tilespmem:$0x19900] =	vst v63  }
0x8e: {  	_ =	swait.ge [sflag:s25], $0x4000  }
0x8f: {  	[sflag:s25] =	ssyncset.done $0x0  }
0x90: {  	[sflag:s25] =	ssyncadd.s32 $0xFFFFC000  }
0x91: {  	_ =	swait.ge [sflag:s25], $0x4000  }
0x92: {  	[sflag:s25] =	ssyncset.done $0x0  }
0x93: {  	[sflag:s25] =	ssyncadd.s32 $0xFFFFC000  }
0x94: {  	[hbm4b:s6+s3] =	stream.linear.scatter [tilespmem:s15], [sflag:$0x4], $0x8000, $0x38;
	[tilespmem:$0x19900] =	vst v63  }
0x95: {  	_ =	swait.ge [sflag:s26], $0x8000  }
0x96: {  	[sflag:s26] =	ssyncset.done $0x0  }
0x97: {  	s1 =	sadd.s32 $0x1, s1;
	[sflag:s26] =	ssyncadd.s32 $0xFFFF8000  }
0x98: {  	p0 =	sne.s32 s1, s5;
	_ =	swait.ge [sflag:s29], $0x8000  }
.Ltmp1:
0x99: {  	[sflag:s29] =	ssyncset.done $0x0;
	(pc) =	sbr.rel @p0 .LBB2_1-.Ltmp1, $4  }
0x9a: {  	[sflag:s29] =	ssyncadd.s32 $0xFFFF8000  }
0x9b: {  	_ =	swait.ge [sflag:s31], $0x8000  }
0x9c: {  	[sflag:s31] =	ssyncset.done $0x0  }
0x9d: {  	[sflag:s31] =	ssyncadd.s32 $0xFFFF8000  }
0x9e: {  	_ =	sfence.sel $0x180000  }
0x9f: {  	[bflag:$0x0] =	sbarrier.arrive $0xFFFF  }
0xa0: {  	_ =	strace $0x90000047  }
0xa1: {  	s0 =	stileid.u32;
	[bflag:$0x2] =	sbarrier.arrive $0xFFFF  }
0xa2: {  	p0 =	sne.s32 s0, $0x0;
	s0 =	rddreg [dreg:$0x3]  }
0xa3: {  	s0 =	sadd.s32 @!p0 $0x100000, s0  }
0xa4: {  	[sflag:s0] =	ssyncadd.tile.s32 @!p0 $0x1;
	_ =	shalt  }
.Lfunc_end2:
_tile_overlayer_lowered:
.L_overlay_start_2:
0xa5: {  	(tag) =	ssettag $0x2  }
0xa6: {  	s0 =	rddreg [dreg:$0x0];
	s2 =	stileid.u32  }
0xa7: {  	s1 =	rddreg [dreg:$0x1];
	p0 =	sne.s32 s2, $0x0  }
0xa8: {  	s3 =	rddreg [dreg:$0x2];
	[bflag:$0x3] =	sbarrier.arrive $0xFFFF;
	s2 =	simm.s32 @!p0 $0x1C07  }
0xa9: {  	[timem:s3], [sflag:s2] =	dma.local @!p0 [hbm:s0], s1  }
0xaa: {  	s0 =	simm.s32 @!p0 $0x7  }
0xab: {  	_ =	swait.ge @!p0 [sflag:s0], s1  }
0xac: {  	s1 =	ssub.s32 @!p0 $0x0, s1;
	[sflag:s0] =	ssyncset.done @!p0 $0x0  }
0xad: {  	[sflag:s0] =	ssyncadd.s32 @!p0 s1  }
0xae: {  	[bflag:$0x3] =	sbarrier.arrive $0xFFFF  }
0xaf: {  	_ =	shalt  }

</sc_bundles>
